<compile_context>
chip_gen: v7x
topology: tpu7x:2x2x1
jax: 0.10.2.dev20260603
libtpu: 0.0.44.dev20260713+nightly
codegen_flags: <defaults>
</compile_context>

<pallas_src>
import math

import jax
import jax.numpy as jnp
from jax import lax
from jax.experimental import pallas as pl

_B, _N, _C = 64, 576, 768
_HID = _C // 4
_SPARSE_RATIO = 0.6
_BETA = 0.25
_NUM_KEEP = max(1, math.ceil(_N * _SPARSE_RATIO))
_PAD_SEL = ((_NUM_KEEP + 1 + 7) // 8) * 8


def _norm_row(a):
    a_min = jnp.min(a, axis=-1, keepdims=True)
    a_max = jnp.max(a, axis=-1, keepdims=True)
    return (a - a_min) / (a_max - a_min + 1e-08)


_EXACT = jax.lax.Precision.HIGHEST
_MLP_PREC = jax.lax.Precision.DEFAULT


def _token_sparse_kernel(tok_ref, ax_ref, ay_ref, ayd_ref, w1_ref, b1_ref,
                         w2_ref, b2_ref, sel_ref, mask_ref):
    f32 = jnp.float32
    t = tok_ref[0]

    h = jnp.dot(t, w1_ref[...], preferred_element_type=f32,
                precision=_MLP_PREC) + b1_ref[...]
    h = 0.5 * h * (1.0 - lax.erf(-h * jnp.float32(0.7071067811865476)))
    sp_col = jax.nn.sigmoid(
        jnp.dot(h, w2_ref[...], preferred_element_type=f32,
                precision=_MLP_PREC) + b2_ref[0, 0]
    )

    sp_row = sp_col.T

    s_im = _norm_row(ax_ref[0])
    s_st = _norm_row(ay_ref[0])
    s_dt = _norm_row(ayd_ref[0])
    score_row = ((1.0 - 2.0 * _BETA) * sp_row
                 + _BETA * (s_st + s_dt + 2.0 * s_im))
    score_col = score_row.T

    i_col = lax.broadcasted_iota(jnp.int32, (_N, _N), 0)
    j_row = lax.broadcasted_iota(jnp.int32, (_N, _N), 1)
    beats = (score_col > score_row) | ((score_col == score_row) & (i_col < j_row))
    rank_row = jnp.sum(beats.astype(f32), axis=0, keepdims=True)
    rank_i = rank_row.astype(jnp.int32)

    mask_ref[0] = (rank_i < _NUM_KEEP).astype(f32)

    nk = rank_i >= _NUM_KEEP
    m = jnp.max(jnp.where(nk, score_row, -jnp.inf), axis=-1, keepdims=True)
    e = jnp.where(nk, jnp.exp(score_row - m), 0.0)
    w_row = e / jnp.sum(e, axis=-1, keepdims=True)

    p_iota = lax.broadcasted_iota(jnp.int32, (_PAD_SEL, _N), 0)
    onehot_bf = ((p_iota == rank_i) & (p_iota < _NUM_KEEP)).astype(jnp.bfloat16)
    t_hi = t.astype(jnp.bfloat16)
    r1 = t - t_hi.astype(f32)
    t_mid = r1.astype(jnp.bfloat16)
    t_lo = (r1 - t_mid.astype(f32)).astype(jnp.bfloat16)
    sel = (jnp.dot(onehot_bf, t_hi, preferred_element_type=f32)
           + jnp.dot(onehot_bf, t_mid, preferred_element_type=f32)
           + jnp.dot(onehot_bf, t_lo, preferred_element_type=f32))
    extra = jnp.dot(w_row, t, preferred_element_type=f32,
                    precision=_MLP_PREC)
    row_extra = (lax.broadcasted_iota(jnp.int32, (_PAD_SEL, 1), 0)
                 == _NUM_KEEP).astype(f32)
    sel_ref[0] = sel + row_extra * extra


def kernel(tokens, attention_x, attention_y, attention_y_dense, W1, b1, W2, b2):
    Bv, Nv, Cv = tokens.shape
    ax = attention_x.reshape(Bv, 1, Nv)
    ay = attention_y.reshape(Bv, 1, Nv)
    ayd = attention_y_dense.reshape(Bv, 1, Nv)
    b1r = b1.reshape(1, _HID)
    b2r = b2.reshape(1, 1)

    sel, mask = pl.pallas_call(
        _token_sparse_kernel,
        grid=(Bv,),
        in_specs=[
            pl.BlockSpec((1, Nv, Cv), lambda b: (b, 0, 0)),
            pl.BlockSpec((1, 1, Nv), lambda b: (b, 0, 0)),
            pl.BlockSpec((1, 1, Nv), lambda b: (b, 0, 0)),
            pl.BlockSpec((1, 1, Nv), lambda b: (b, 0, 0)),
            pl.BlockSpec((Cv, _HID), lambda b: (0, 0)),
            pl.BlockSpec((1, _HID), lambda b: (0, 0)),
            pl.BlockSpec((_HID, 1), lambda b: (0, 0)),
            pl.BlockSpec((1, 1), lambda b: (0, 0)),
        ],
        out_specs=[
            pl.BlockSpec((1, _PAD_SEL, Cv), lambda b: (b, 0, 0)),
            pl.BlockSpec((1, 1, Nv), lambda b: (b, 0, 0)),
        ],
        out_shape=[
            jax.ShapeDtypeStruct((Bv, _PAD_SEL, Cv), jnp.float32),
            jax.ShapeDtypeStruct((Bv, 1, Nv), jnp.float32),
        ],
    )(tokens, ax, ay, ayd, W1, b1r, W2, b2r)

    select_tokens = sel[:, :_NUM_KEEP, :]
    extra_token = sel[:, _NUM_KEEP:_NUM_KEEP + 1, :]
    score_mask = mask.reshape(Bv, Nv)
    return (select_tokens, extra_token, score_mask)

# --- scband reference (transcript-rebuilt; emitter-appended) ---
"""Pipeline reference for scband-token-sparse-57449482551493 (READ-ONLY COPY).

The authoritative reference and input builder live on the scoring server;
editing this copy changes nothing except your own understanding.
"""

import jax, jax.numpy as jnp
import numpy as np
import math

B, N, C = 64, 576, 768
HID = C // 4
SPARSE_RATIO = 0.6
BETA = 0.25


def setup_inputs(seed: int = 0) -> dict:
    key = jax.random.key(seed)
    ks = jax.random.split(key, 8)
    tokens = jax.random.normal(ks[0], (B, N, C), dtype=jnp.float32)
    attention_x = jax.random.uniform(ks[1], (B, N), dtype=jnp.float32)
    attention_y = jax.random.uniform(ks[2], (B, N), dtype=jnp.float32)
    attention_y_dense = jax.random.uniform(ks[3], (B, N), dtype=jnp.float32)
    # score_predictor params: Linear(C, C//4) -> GELU -> Linear(C//4, 1) -> Sigmoid
    W1 = jax.random.normal(ks[4], (C, HID), dtype=jnp.float32) * 0.02
    b1 = jnp.zeros((HID,), dtype=jnp.float32)
    W2 = jax.random.normal(ks[5], (HID, 1), dtype=jnp.float32) * 0.02
    b2 = jnp.zeros((1,), dtype=jnp.float32)
    return {
        "tokens": tokens,
        "attention_x": attention_x,
        "attention_y": attention_y,
        "attention_y_dense": attention_y_dense,
        "W1": W1,
        "b1": b1,
        "W2": W2,
        "b2": b2,
    }


def _normalize_score(s):
    s_min = jnp.min(s, axis=-1, keepdims=True)
    s_max = jnp.max(s, axis=-1, keepdims=True)
    return (s - s_min) / (s_max - s_min + 1e-08)


def reference(tokens, attention_x, attention_y, attention_y_dense, W1, b1, W2, b2):
    Bv, Lv, Cv = tokens.shape
    # score predictor MLP (paper version): sigmoid(Linear(GELU(Linear(v))))
    h = jnp.dot(tokens, W1) + b1
    h = jax.nn.gelu(h, approximate=False)
    s_pred = jax.nn.sigmoid(jnp.dot(h, W2) + b2)[..., 0]
    s_im = _normalize_score(attention_x)
    s_st = _normalize_score(attention_y)
    s_dt = _normalize_score(attention_y_dense)
    beta = BETA
    score = (1.0 - 2.0 * beta) * s_pred + beta * (s_st + s_dt + 2.0 * s_im)
    num_keep = max(1, math.ceil(Lv * SPARSE_RATIO))
    order = jnp.argsort(-score, axis=1)
    score_sort = jnp.take_along_axis(score, order, axis=1)
    keep_policy = order[:, :num_keep]
    rows = jnp.arange(Bv)[:, None]
    score_mask = jnp.zeros_like(score).at[rows, keep_policy].set(1.0)
    select_tokens = jnp.take_along_axis(tokens, keep_policy[:, :, None], axis=1)
    non_keep_policy = order[:, num_keep:]
    non_tokens = jnp.take_along_axis(tokens, non_keep_policy[:, :, None], axis=1)
    non_keep_score = jax.nn.softmax(score_sort[:, num_keep:], axis=1)[:, :, None]
    extra_token = jnp.sum(non_tokens * non_keep_score, axis=1, keepdims=True)
    return (select_tokens, extra_token, score_mask)

if __name__ == "__main__":
    import jax
    _d = setup_inputs()
    print(jax.jit(kernel)(*tuple(_d.values())))

</pallas_src>

<mosaic_0001>
module attributes {stable_mosaic.version = 14 : i64} {
  func.func @_token_sparse_kernel(%arg0: i32, %arg1: memref<1x576x768xf32, #tpu.memory_space<vmem>>, %arg2: memref<1x1x576xf32, #tpu.memory_space<vmem>>, %arg3: memref<1x1x576xf32, #tpu.memory_space<vmem>>, %arg4: memref<1x1x576xf32, #tpu.memory_space<vmem>>, %arg5: memref<768x192xf32, #tpu.memory_space<vmem>>, %arg6: memref<1x192xf32, #tpu.memory_space<vmem>>, %arg7: memref<192x1xf32, #tpu.memory_space<vmem>>, %arg8: memref<1x1xf32, #tpu.memory_space<vmem>>, %arg9: memref<1x352x768xf32, #tpu.memory_space<vmem>>, %arg10: memref<1x1x576xf32, #tpu.memory_space<vmem>>) attributes {dimension_semantics = [#tpu.dimension_semantics<arbitrary>], iteration_bounds = array<i64: 64>, scalar_prefetch = 0 : i64, scratch_operands = 0 : i64, tpu.core_type = #tpu.core_type<tc>, window_params = [{transform_indices = @transform_0, window_bounds = array<i64: 1, 576, 768>}, {transform_indices = @transform_1, window_bounds = array<i64: 1, 1, 576>}, {transform_indices = @transform_2, window_bounds = array<i64: 1, 1, 576>}, {transform_indices = @transform_3, window_bounds = array<i64: 1, 1, 576>}, {pipeline_mode = #tpu.pipeline_mode<synchronous>, transform_indices = @transform_4, window_bounds = array<i64: 768, 192>}, {pipeline_mode = #tpu.pipeline_mode<synchronous>, transform_indices = @transform_5, window_bounds = array<i64: 1, 192>}, {pipeline_mode = #tpu.pipeline_mode<synchronous>, transform_indices = @transform_6, window_bounds = array<i64: 192, 1>}, {pipeline_mode = #tpu.pipeline_mode<synchronous>, transform_indices = @transform_7, window_bounds = array<i64: 1, 1>}, {transform_indices = @transform_8, window_bounds = array<i64: 1, 352, 768>}, {transform_indices = @transform_9, window_bounds = array<i64: 1, 1, 576>}]} {
    %get3A = arith.constant 0 : index
    %get3A_0 = arith.constant 0 : index
    %get3A_1 = arith.constant 0 : index
    %get3A_2 = vector.load %arg1[%get3A, %get3A_0, %get3A_1] : memref<1x576x768xf32, #tpu.memory_space<vmem>>, vector<1x576x768xf32>
    %get3A_3 = vector.shape_cast %get3A_2 : vector<1x576x768xf32> to vector<576x768xf32>
    %get3A_4 = arith.constant 0 : index
    %get3A_5 = arith.constant 0 : index
    %get3A_6 = vector.load %arg5[%get3A_4, %get3A_5] : memref<768x192xf32, #tpu.memory_space<vmem>>, vector<768x192xf32>
    %dot_general3A = arith.constant dense<0.000000e+00> : vector<576x192xf32>
    %dot_general3A_7 = tpu.matmul %get3A_3, %get3A_6, %dot_general3A {dimension_numbers = #tpu.dot_dimension_numbers<[1], [0], [0], [1], [0, 0, 1, 1], [], []>, transpose_lhs_hint = false} : vector<576x768xf32>, vector<768x192xf32>, vector<576x192xf32> -> vector<576x192xf32>
    %get3A_8 = arith.constant 0 : index
    %get3A_9 = arith.constant 0 : index
    %get3A_10 = vector.load %arg6[%get3A_8, %get3A_9] : memref<1x192xf32, #tpu.memory_space<vmem>>, vector<1x192xf32>
    %add3A = vector.broadcast %get3A_10 : vector<1x192xf32> to vector<576x192xf32>
    %add3A_11 = arith.addf %dot_general3A_7, %add3A : vector<576x192xf32>
    %mul3A = arith.constant 5.000000e-01 : f32
    %mul3A_12 = vector.broadcast %mul3A : f32 to vector<576x192xf32>
    %mul3A_13 = arith.mulf %mul3A_12, %add3A_11 : vector<576x192xf32>
    %neg3A = arith.constant 0.000000e+00 : f32
    %neg3A_14 = vector.broadcast %neg3A : f32 to vector<576x192xf32>
    %neg3A_15 = arith.subf %neg3A_14, %add3A_11 : vector<576x192xf32>
    %mul3A_16 = arith.constant 0.707106769 : f32
    %mul3A_17 = vector.broadcast %mul3A_16 : f32 to vector<576x192xf32>
    %mul3A_18 = arith.mulf %neg3A_15, %mul3A_17 : vector<576x192xf32>
    %erf3A = math.erf %mul3A_18 : vector<576x192xf32>
    %sub3A = arith.constant 1.000000e+00 : f32
    %sub3A_19 = vector.broadcast %sub3A : f32 to vector<576x192xf32>
    %sub3A_20 = arith.subf %sub3A_19, %erf3A : vector<576x192xf32>
    %mul3A_21 = arith.mulf %mul3A_13, %sub3A_20 : vector<576x192xf32>
    %get3A_22 = arith.constant 0 : index
    %get3A_23 = arith.constant 0 : index
    %get3A_24 = vector.load %arg7[%get3A_22, %get3A_23] : memref<192x1xf32, #tpu.memory_space<vmem>>, vector<192x1xf32>
    %dot_general3A_25 = arith.constant dense<0.000000e+00> : vector<576x1xf32>
    %dot_general3A_26 = tpu.matmul %mul3A_21, %get3A_24, %dot_general3A_25 {dimension_numbers = #tpu.dot_dimension_numbers<[1], [0], [0], [1], [0, 0, 1, 1], [], []>, transpose_lhs_hint = false} : vector<576x192xf32>, vector<192x1xf32>, vector<576x1xf32> -> vector<576x1xf32>
    %get3A_27 = arith.constant 0 : index
    %get3A_28 = arith.constant 0 : index
    %get3A_29 = vector.load %arg8[%get3A_27, %get3A_28] : memref<1x1xf32, #tpu.memory_space<vmem>>, vector<1x1xf32>
    %get3A_30 = vector.extract %get3A_29[0, 0] : f32 from vector<1x1xf32>
    %add3A_31 = vector.broadcast %get3A_30 : f32 to vector<576x1xf32>
    %add3A_32 = arith.addf %dot_general3A_26, %add3A_31 : vector<576x1xf32>
    %logistic3A = arith.negf %add3A_32 : vector<576x1xf32>
    %logistic3A_33 = math.exp %logistic3A : vector<576x1xf32>
    %logistic3A_34 = arith.constant 1.000000e+00 : f32
    %logistic3A_35 = vector.broadcast %logistic3A_34 : f32 to vector<576x1xf32>
    %logistic3A_36 = arith.addf %logistic3A_35, %logistic3A_33 : vector<576x1xf32>
    %logistic3A_37 = arith.divf %logistic3A_35, %logistic3A_36 : vector<576x1xf32>
    %transpose3A = tpu.transpose %logistic3A_37, [1, 0] : vector<576x1xf32> -> vector<1x576xf32>
    %get3A_38 = arith.constant 0 : index
    %get3A_39 = arith.constant 0 : index
    %get3A_40 = arith.constant 0 : index
    %get3A_41 = vector.load %arg2[%get3A_38, %get3A_39, %get3A_40] : memref<1x1x576xf32, #tpu.memory_space<vmem>>, vector<1x1x576xf32>
    %get3A_42 = vector.shape_cast %get3A_41 : vector<1x1x576xf32> to vector<1x576xf32>
    %reduce_min3A = arith.constant dense<0x7F800000> : vector<1xf32>
    %reduce_min3A_43 = vector.multi_reduction <minimumf>, %get3A_42, %reduce_min3A [1] : vector<1x576xf32> to vector<1xf32>
    %broadcast_in_dim3A = vector.shape_cast %reduce_min3A_43 : vector<1xf32> to vector<1x1xf32>
    %reduce_max3A = arith.constant dense<0xFF800000> : vector<1xf32>
    %reduce_max3A_44 = vector.multi_reduction <maximumf>, %get3A_42, %reduce_max3A [1] : vector<1x576xf32> to vector<1xf32>
    %broadcast_in_dim3A_45 = vector.shape_cast %reduce_max3A_44 : vector<1xf32> to vector<1x1xf32>
    %sub3A_46 = vector.broadcast %broadcast_in_dim3A : vector<1x1xf32> to vector<1x576xf32>
    %sub3A_47 = arith.subf %get3A_42, %sub3A_46 : vector<1x576xf32>
    %sub3A_48 = arith.subf %broadcast_in_dim3A_45, %broadcast_in_dim3A : vector<1x1xf32>
    %add3A_49 = arith.constant 9.99999993E-9 : f32
    %add3A_50 = vector.broadcast %add3A_49 : f32 to vector<1x1xf32>
    %add3A_51 = arith.addf %sub3A_48, %add3A_50 : vector<1x1xf32>
    %div3A = vector.broadcast %add3A_51 : vector<1x1xf32> to vector<1x576xf32>
    %div3A_52 = arith.divf %sub3A_47, %div3A : vector<1x576xf32>
    %get3A_53 = arith.constant 0 : index
    %get3A_54 = arith.constant 0 : index
    %get3A_55 = arith.constant 0 : index
    %get3A_56 = vector.load %arg3[%get3A_53, %get3A_54, %get3A_55] : memref<1x1x576xf32, #tpu.memory_space<vmem>>, vector<1x1x576xf32>
    %get3A_57 = vector.shape_cast %get3A_56 : vector<1x1x576xf32> to vector<1x576xf32>
    %reduce_min3A_58 = arith.constant dense<0x7F800000> : vector<1xf32>
    %reduce_min3A_59 = vector.multi_reduction <minimumf>, %get3A_57, %reduce_min3A_58 [1] : vector<1x576xf32> to vector<1xf32>
    %broadcast_in_dim3A_60 = vector.shape_cast %reduce_min3A_59 : vector<1xf32> to vector<1x1xf32>
    %reduce_max3A_61 = arith.constant dense<0xFF800000> : vector<1xf32>
    %reduce_max3A_62 = vector.multi_reduction <maximumf>, %get3A_57, %reduce_max3A_61 [1] : vector<1x576xf32> to vector<1xf32>
    %broadcast_in_dim3A_63 = vector.shape_cast %reduce_max3A_62 : vector<1xf32> to vector<1x1xf32>
    %sub3A_64 = vector.broadcast %broadcast_in_dim3A_60 : vector<1x1xf32> to vector<1x576xf32>
    %sub3A_65 = arith.subf %get3A_57, %sub3A_64 : vector<1x576xf32>
    %sub3A_66 = arith.subf %broadcast_in_dim3A_63, %broadcast_in_dim3A_60 : vector<1x1xf32>
    %add3A_67 = arith.constant 9.99999993E-9 : f32
    %add3A_68 = vector.broadcast %add3A_67 : f32 to vector<1x1xf32>
    %add3A_69 = arith.addf %sub3A_66, %add3A_68 : vector<1x1xf32>
    %div3A_70 = vector.broadcast %add3A_69 : vector<1x1xf32> to vector<1x576xf32>
    %div3A_71 = arith.divf %sub3A_65, %div3A_70 : vector<1x576xf32>
    %get3A_72 = arith.constant 0 : index
    %get3A_73 = arith.constant 0 : index
    %get3A_74 = arith.constant 0 : index
    %get3A_75 = vector.load %arg4[%get3A_72, %get3A_73, %get3A_74] : memref<1x1x576xf32, #tpu.memory_space<vmem>>, vector<1x1x576xf32>
    %get3A_76 = vector.shape_cast %get3A_75 : vector<1x1x576xf32> to vector<1x576xf32>
    %reduce_min3A_77 = arith.constant dense<0x7F800000> : vector<1xf32>
    %reduce_min3A_78 = vector.multi_reduction <minimumf>, %get3A_76, %reduce_min3A_77 [1] : vector<1x576xf32> to vector<1xf32>
    %broadcast_in_dim3A_79 = vector.shape_cast %reduce_min3A_78 : vector<1xf32> to vector<1x1xf32>
    %reduce_max3A_80 = arith.constant dense<0xFF800000> : vector<1xf32>
    %reduce_max3A_81 = vector.multi_reduction <maximumf>, %get3A_76, %reduce_max3A_80 [1] : vector<1x576xf32> to vector<1xf32>
    %broadcast_in_dim3A_82 = vector.shape_cast %reduce_max3A_81 : vector<1xf32> to vector<1x1xf32>
    %sub3A_83 = vector.broadcast %broadcast_in_dim3A_79 : vector<1x1xf32> to vector<1x576xf32>
    %sub3A_84 = arith.subf %get3A_76, %sub3A_83 : vector<1x576xf32>
    %sub3A_85 = arith.subf %broadcast_in_dim3A_82, %broadcast_in_dim3A_79 : vector<1x1xf32>
    %add3A_86 = arith.constant 9.99999993E-9 : f32
    %add3A_87 = vector.broadcast %add3A_86 : f32 to vector<1x1xf32>
    %add3A_88 = arith.addf %sub3A_85, %add3A_87 : vector<1x1xf32>
    %div3A_89 = vector.broadcast %add3A_88 : vector<1x1xf32> to vector<1x576xf32>
    %div3A_90 = arith.divf %sub3A_84, %div3A_89 : vector<1x576xf32>
    %mul3A_91 = arith.constant 5.000000e-01 : f32
    %mul3A_92 = vector.broadcast %mul3A_91 : f32 to vector<1x576xf32>
    %mul3A_93 = arith.mulf %mul3A_92, %transpose3A : vector<1x576xf32>
    %add3A_94 = arith.addf %div3A_71, %div3A_90 : vector<1x576xf32>
    %mul3A_95 = arith.constant 2.000000e+00 : f32
    %mul3A_96 = vector.broadcast %mul3A_95 : f32 to vector<1x576xf32>
    %mul3A_97 = arith.mulf %mul3A_96, %div3A_52 : vector<1x576xf32>
    %add3A_98 = arith.addf %add3A_94, %mul3A_97 : vector<1x576xf32>
    %mul3A_99 = arith.constant 2.500000e-01 : f32
    %mul3A_100 = vector.broadcast %mul3A_99 : f32 to vector<1x576xf32>
    %mul3A_101 = arith.mulf %mul3A_100, %add3A_98 : vector<1x576xf32>
    %add3A_102 = arith.addf %mul3A_93, %mul3A_101 : vector<1x576xf32>
    %transpose3A_103 = tpu.transpose %add3A_102, [1, 0] : vector<1x576xf32> -> vector<576x1xf32>
    %iota3A = tpu.iota {dimensions = array<i32: 0>} : vector<576x576xi32>
    %iota3A_104 = tpu.iota {dimensions = array<i32: 1>} : vector<576x576xi32>
    %gt3A = vector.broadcast %transpose3A_103 : vector<576x1xf32> to vector<576x576xf32>
    %gt3A_105 = vector.broadcast %add3A_102 : vector<1x576xf32> to vector<576x576xf32>
    %gt3A_106 = arith.cmpf ogt, %gt3A, %gt3A_105 : vector<576x576xf32>
    %eq3A = vector.broadcast %transpose3A_103 : vector<576x1xf32> to vector<576x576xf32>
    %eq3A_107 = vector.broadcast %add3A_102 : vector<1x576xf32> to vector<576x576xf32>
    %eq3A_108 = arith.cmpf oeq, %eq3A, %eq3A_107 : vector<576x576xf32>
    %lt3A = arith.cmpi slt, %iota3A, %iota3A_104 : vector<576x576xi32>
    %and3A = arith.andi %eq3A_108, %lt3A : vector<576x576xi1>
    %or3A = arith.ori %gt3A_106, %and3A : vector<576x576xi1>
    %convert_element_type3A = arith.extui %or3A : vector<576x576xi1> to vector<576x576xi32>
    %convert_element_type3A_109 = arith.sitofp %convert_element_type3A : vector<576x576xi32> to vector<576x576xf32>
    %reduce_sum3A = arith.constant dense<0.000000e+00> : vector<576xf32>
    %reduce_sum3A_110 = vector.multi_reduction <add>, %convert_element_type3A_109, %reduce_sum3A [0] : vector<576x576xf32> to vector<576xf32>
    %broadcast_in_dim3A_111 = vector.shape_cast %reduce_sum3A_110 : vector<576xf32> to vector<1x576xf32>
    %convert_element_type3A_112 = arith.fptosi %broadcast_in_dim3A_111 : vector<1x576xf32> to vector<1x576xi32>
    %lt3A_113 = arith.constant 346 : i32
    %lt3A_114 = vector.broadcast %lt3A_113 : i32 to vector<1x576xi32>
    %lt3A_115 = arith.cmpi slt, %convert_element_type3A_112, %lt3A_114 : vector<1x576xi32>
    %convert_element_type3A_116 = arith.extui %lt3A_115 : vector<1x576xi1> to vector<1x576xi32>
    %convert_element_type3A_117 = arith.sitofp %convert_element_type3A_116 : vector<1x576xi32> to vector<1x576xf32>
    %swap3A = arith.constant 0 : index
    %swap3A_118 = arith.constant 0 : index
    %swap3A_119 = arith.constant 0 : index
    %swap3A_120 = vector.load %arg10[%swap3A, %swap3A_118, %swap3A_119] : memref<1x1x576xf32, #tpu.memory_space<vmem>>, vector<1x1x576xf32>
    %swap3A_121 = vector.shape_cast %swap3A_120 : vector<1x1x576xf32> to vector<1x576xf32>
    %swap3A_122 = vector.shape_cast %convert_element_type3A_117 : vector<1x576xf32> to vector<1x1x576xf32>
    tpu.vector_store %arg10[%swap3A, %swap3A_118, %swap3A_119], %swap3A_122 {strides = array<i32>} : memref<1x1x576xf32, #tpu.memory_space<vmem>>, vector<1x1x576xf32>,
    %ge3A = arith.constant 346 : i32
    %ge3A_123 = vector.broadcast %ge3A : i32 to vector<1x576xi32>
    %ge3A_124 = arith.cmpi sge, %convert_element_type3A_112, %ge3A_123 : vector<1x576xi32>
    %jit3A = arith.constant 0xFF800000 : f32
    %broadcast_in_dim3A_125 = vector.broadcast %jit3A : f32 to vector<1x576xf32>
    %select_n3A = arith.select %ge3A_124, %add3A_102, %broadcast_in_dim3A_125 : vector<1x576xi1>, vector<1x576xf32>
    %reduce_max3A_126 = arith.constant dense<0xFF800000> : vector<1xf32>
    %reduce_max3A_127 = vector.multi_reduction <maximumf>, %select_n3A, %reduce_max3A_126 [1] : vector<1x576xf32> to vector<1xf32>
    %broadcast_in_dim3A_128 = vector.shape_cast %reduce_max3A_127 : vector<1xf32> to vector<1x1xf32>
    %sub3A_129 = vector.broadcast %broadcast_in_dim3A_128 : vector<1x1xf32> to vector<1x576xf32>
    %sub3A_130 = arith.subf %add3A_102, %sub3A_129 : vector<1x576xf32>
    %exp3A = math.exp %sub3A_130 : vector<1x576xf32>
    %jit3A_131 = arith.constant 0.000000e+00 : f32
    %broadcast_in_dim3A_132 = vector.broadcast %jit3A_131 : f32 to vector<1x576xf32>
    %select_n3A_133 = arith.select %ge3A_124, %exp3A, %broadcast_in_dim3A_132 : vector<1x576xi1>, vector<1x576xf32>
    %reduce_sum3A_134 = arith.constant dense<0.000000e+00> : vector<1xf32>
    %reduce_sum3A_135 = vector.multi_reduction <add>, %select_n3A_133, %reduce_sum3A_134 [1] : vector<1x576xf32> to vector<1xf32>
    %broadcast_in_dim3A_136 = vector.shape_cast %reduce_sum3A_135 : vector<1xf32> to vector<1x1xf32>
    %div3A_137 = vector.broadcast %broadcast_in_dim3A_136 : vector<1x1xf32> to vector<1x576xf32>
    %div3A_138 = arith.divf %select_n3A_133, %div3A_137 : vector<1x576xf32>
    %iota3A_139 = tpu.iota {dimensions = array<i32: 0>} : vector<352x576xi32>
    %eq3A_140 = vector.broadcast %convert_element_type3A_112 : vector<1x576xi32> to vector<352x576xi32>
    %eq3A_141 = arith.cmpi eq, %iota3A_139, %eq3A_140 : vector<352x576xi32>
    %lt3A_142 = arith.constant 346 : i32
    %lt3A_143 = vector.broadcast %lt3A_142 : i32 to vector<352x576xi32>
    %lt3A_144 = arith.cmpi slt, %iota3A_139, %lt3A_143 : vector<352x576xi32>
    %and3A_145 = arith.andi %eq3A_141, %lt3A_144 : vector<352x576xi1>
    %convert_element_type3A_146 = arith.extui %and3A_145 : vector<352x576xi1> to vector<352x576xi32>
    %convert_element_type3A_147 = arith.sitofp %convert_element_type3A_146 : vector<352x576xi32> to vector<352x576xf32>
    %convert_element_type3A_148 = arith.truncf %convert_element_type3A_147 : vector<352x576xf32> to vector<352x576xbf16>
    %convert_element_type3A_149 = arith.truncf %get3A_3 : vector<576x768xf32> to vector<576x768xbf16>
    %convert_element_type3A_150 = arith.extf %convert_element_type3A_149 : vector<576x768xbf16> to vector<576x768xf32>
    %sub3A_151 = arith.subf %get3A_3, %convert_element_type3A_150 : vector<576x768xf32>
    %convert_element_type3A_152 = arith.truncf %sub3A_151 : vector<576x768xf32> to vector<576x768xbf16>
    %convert_element_type3A_153 = arith.extf %convert_element_type3A_152 : vector<576x768xbf16> to vector<576x768xf32>
    %sub3A_154 = arith.subf %sub3A_151, %convert_element_type3A_153 : vector<576x768xf32>
    %convert_element_type3A_155 = arith.truncf %sub3A_154 : vector<576x768xf32> to vector<576x768xbf16>
    %dot_general3A_156 = arith.constant dense<0.000000e+00> : vector<352x768xf32>
    %dot_general3A_157 = tpu.matmul %convert_element_type3A_148, %convert_element_type3A_149, %dot_general3A_156 {dimension_numbers = #tpu.dot_dimension_numbers<[1], [0], [0], [1], [0, 0, 1, 1], [], []>, transpose_lhs_hint = false} : vector<352x576xbf16>, vector<576x768xbf16>, vector<352x768xf32> -> vector<352x768xf32>
    %dot_general3A_158 = arith.constant dense<0.000000e+00> : vector<352x768xf32>
    %dot_general3A_159 = tpu.matmul %convert_element_type3A_148, %convert_element_type3A_152, %dot_general3A_158 {dimension_numbers = #tpu.dot_dimension_numbers<[1], [0], [0], [1], [0, 0, 1, 1], [], []>, transpose_lhs_hint = false} : vector<352x576xbf16>, vector<576x768xbf16>, vector<352x768xf32> -> vector<352x768xf32>
    %add3A_160 = arith.addf %dot_general3A_157, %dot_general3A_159 : vector<352x768xf32>
    %dot_general3A_161 = arith.constant dense<0.000000e+00> : vector<352x768xf32>
    %dot_general3A_162 = tpu.matmul %convert_element_type3A_148, %convert_element_type3A_155, %dot_general3A_161 {dimension_numbers = #tpu.dot_dimension_numbers<[1], [0], [0], [1], [0, 0, 1, 1], [], []>, transpose_lhs_hint = false} : vector<352x576xbf16>, vector<576x768xbf16>, vector<352x768xf32> -> vector<352x768xf32>
    %add3A_163 = arith.addf %add3A_160, %dot_general3A_162 : vector<352x768xf32>
    %dot_general3A_164 = arith.constant dense<0.000000e+00> : vector<1x768xf32>
    %dot_general3A_165 = tpu.matmul %div3A_138, %get3A_3, %dot_general3A_164 {dimension_numbers = #tpu.dot_dimension_numbers<[1], [0], [0], [1], [0, 0, 1, 1], [], []>, transpose_lhs_hint = false} : vector<1x576xf32>, vector<576x768xf32>, vector<1x768xf32> -> vector<1x768xf32>
    %iota3A_166 = tpu.iota {dimensions = array<i32: 0>} : vector<352x1xi32>
    %eq3A_167 = arith.constant 346 : i32
    %eq3A_168 = vector.broadcast %eq3A_167 : i32 to vector<352x1xi32>
    %eq3A_169 = arith.cmpi eq, %iota3A_166, %eq3A_168 : vector<352x1xi32>
    %convert_element_type3A_170 = arith.extui %eq3A_169 : vector<352x1xi1> to vector<352x1xi32>
    %convert_element_type3A_171 = arith.sitofp %convert_element_type3A_170 : vector<352x1xi32> to vector<352x1xf32>
    %mul3A_172 = vector.broadcast %convert_element_type3A_171 : vector<352x1xf32> to vector<352x768xf32>
    %mul3A_173 = vector.broadcast %dot_general3A_165 : vector<1x768xf32> to vector<352x768xf32>
    %mul3A_174 = arith.mulf %mul3A_172, %mul3A_173 : vector<352x768xf32>
    %add3A_175 = arith.addf %add3A_163, %mul3A_174 : vector<352x768xf32>
    %swap3A_176 = arith.constant 0 : index
    %swap3A_177 = arith.constant 0 : index
    %swap3A_178 = arith.constant 0 : index
    %swap3A_179 = vector.load %arg9[%swap3A_176, %swap3A_177, %swap3A_178] : memref<1x352x768xf32, #tpu.memory_space<vmem>>, vector<1x352x768xf32>
    %swap3A_180 = vector.shape_cast %swap3A_179 : vector<1x352x768xf32> to vector<352x768xf32>
    %swap3A_181 = vector.shape_cast %add3A_175 : vector<352x768xf32> to vector<1x352x768xf32>
    tpu.vector_store %arg9[%swap3A_176, %swap3A_177, %swap3A_178], %swap3A_181 {strides = array<i32>} : memref<1x352x768xf32, #tpu.memory_space<vmem>>, vector<1x352x768xf32>,
    return
  }
  func.func @transform_0(%arg0: i32) -> (i32, i32, i32) {
    %c0_i32 = arith.constant 0 : i32
    %c0_i32_0 = arith.constant 0 : i32
    %c0_i32_1 = arith.constant 0 : i32
    return %arg0, %c0_i32, %c0_i32_0 : i32, i32, i32
  }
  func.func @transform_1(%arg0: i32) -> (i32, i32, i32) {
    %c0_i32 = arith.constant 0 : i32
    %c0_i32_0 = arith.constant 0 : i32
    %c0_i32_1 = arith.constant 0 : i32
    return %arg0, %c0_i32, %c0_i32_0 : i32, i32, i32
  }
  func.func @transform_2(%arg0: i32) -> (i32, i32, i32) {
    %c0_i32 = arith.constant 0 : i32
    %c0_i32_0 = arith.constant 0 : i32
    %c0_i32_1 = arith.constant 0 : i32
    return %arg0, %c0_i32, %c0_i32_0 : i32, i32, i32
  }
  func.func @transform_3(%arg0: i32) -> (i32, i32, i32) {
    %c0_i32 = arith.constant 0 : i32
    %c0_i32_0 = arith.constant 0 : i32
    %c0_i32_1 = arith.constant 0 : i32
    return %arg0, %c0_i32, %c0_i32_0 : i32, i32, i32
  }
  func.func @transform_4(%arg0: i32) -> (i32, i32) {
    %c0_i32 = arith.constant 0 : i32
    %c0_i32_0 = arith.constant 0 : i32
    %c0_i32_1 = arith.constant 0 : i32
    return %c0_i32, %c0_i32_0 : i32, i32
  }
  func.func @transform_5(%arg0: i32) -> (i32, i32) {
    %c0_i32 = arith.constant 0 : i32
    %c0_i32_0 = arith.constant 0 : i32
    %c0_i32_1 = arith.constant 0 : i32
    return %c0_i32, %c0_i32_0 : i32, i32
  }
  func.func @transform_6(%arg0: i32) -> (i32, i32) {
    %c0_i32 = arith.constant 0 : i32
    %c0_i32_0 = arith.constant 0 : i32
    %c0_i32_1 = arith.constant 0 : i32
    return %c0_i32, %c0_i32_0 : i32, i32
  }
  func.func @transform_7(%arg0: i32) -> (i32, i32) {
    %c0_i32 = arith.constant 0 : i32
    %c0_i32_0 = arith.constant 0 : i32
    %c0_i32_1 = arith.constant 0 : i32
    return %c0_i32, %c0_i32_0 : i32, i32
  }
  func.func @transform_8(%arg0: i32) -> (i32, i32, i32) {
    %c0_i32 = arith.constant 0 : i32
    %c0_i32_0 = arith.constant 0 : i32
    %c0_i32_1 = arith.constant 0 : i32
    return %arg0, %c0_i32, %c0_i32_0 : i32, i32, i32
  }
  func.func @transform_9(%arg0: i32) -> (i32, i32, i32) {
    %c0_i32 = arith.constant 0 : i32
    %c0_i32_0 = arith.constant 0 : i32
    %c0_i32_1 = arith.constant 0 : i32
    return %arg0, %c0_i32, %c0_i32_0 : i32, i32, i32
  }
}

</mosaic_0001>

<sc_bundles>
// kernel: sparse-core-data-format-call.cloned.1.call-start
scs
called_computation_lowered:
.L_overlay_start_0:
0x0: {  	s2 =	sld [smem:$0x3FD9]  }
0x1: {  	s3 =	sld [smem:$0x3FFE];
	_ =	sdelay $0x1  }
0x2: {  	s1 =	srdreg.scid  }
0x3: {  	s0 =	sand.u32 $0x1, s1  }
0x4: {  	s15 =	sshll.u32 s0, $0xA;
	s2 =	sadd.s32 s3, s2  }
0x5: {  	s2 =	sadd.s32 s2, s15  }
0x6: {  	[smem:$0x3FC0] =	sst s2  }
0x7: {  	_ = 	snop  }
0x8: {  	s2 =	sld [smem:$0x3FD0];
	_ =	sdelay $0x2  }
0x9: {  	s16 =	simm.s32 $0xA;
	s4 =	simm.s32 $0x10  }
0xa: {  	[smem:s4], [sflag:s16] =	dma.local [hbm:s2], $0x1  }
0xb: {  	_ =	swait.eq [sflag:s16], $0x1  }
0xc: {  	[sflag:s16] =	ssyncset.done $0x0  }
0xd: {  	[sflag:s16] =	ssyncadd.s32 $0xFFFFFFFF  }
0xe: {  	s17 =	sld [smem:$0x10];
	(tm) =	ssettm $0x1  }
0xf: {  	s18 =	sld [smem:$0x3FFB];
	_ =	sdelay $0x3  }
0x10: {  	_ =	strace s18  }
0x11: {  	s3 =	sld [smem:$0x3FFC];
	_ =	sdelay $0x3  }
0x12: {  	_ =	strace s3  }
0x13: {  	s3 =	sld [smem:$0x3FFD];
	_ =	sdelay $0x3  }
0x14: {  	_ =	strace s3  }
0x15: {  	_ =	strace $0x8FFFFFFF  }
0x16: {  	s19 =	sld [smem:$0x3FDB];
	_ =	sdelay $0x1  }
0x17: {  	s20 =	simm.s32 $_scs_section_size  }
0x18: {  	s5 =	simm.s32 $_size__tile_overlayer_lowered;
	s6 =	simm.s32 $_tile_overlayer_lowered  }
0x19: {  	s23 =	simm.s32 $0x1BFF;
	s22 =	sshll.u32 s6, $0x1;
	s3 =	sadd.s32 s20, s19  }
0x1a: {  	s7 =	simm.s32 $0x0;
	s21 =	sshll.u32 s5, $0x1;
	s5 =	sadd.s32 s22, s3  }
0x1b: {  	[timem:s7], [sflag:s23] =	dma.local [hbm:s5], s21  }
0x1c: {  	_ =	swait.ge [sflag:s23], s21  }
0x1d: {  	s4 =	ssub.s32 $0x0, s21;
	[sflag:s23] =	ssyncset.done $0x0  }
0x1e: {  	[sflag:s23] =	ssyncadd.s32 s4;
	_ =	sdelay $0x1  }
0x1f: {  	s24 =	simm.s32 $0x1B8B  }
0x20: {  	_ =	swait.ge [sflag:s24], $0x1  }
0x21: {  	[sflag:s24] =	ssyncset.done $0x0  }
0x22: {  	s26 =	simm.s32 $0x1B8E;
	s25 =	sld [smem:$0x3FFE];
	[sflag:s24] =	ssyncadd.s32 $0xFFFFFFFF  }
0x23: {  	s27 =	simm.s32 $execute0_lowered;
	[smem:$0x3FD2] =	sst s26  }
0x24: {  	s5 =	sshll.u32 s27, $0x1;
	_ =	strace $0x80000046;
	[dreg:$0x1] =	wrdreg $0xFFFFFFFF  }
0x25: {  	s28 =	simm.s32 $_size_execute0_lowered;
	s3 =	sadd.s32 s3, s5;
	[dreg:$0x0] =	wrdreg $0x0  }
0x26: {  	s5 =	sshll.u32 s28, $0x1;
	[dreg:$0x2] =	wrdreg s3  }
0x27: {  	[dreg:$0x3] =	wrdreg s5  }
0x28: {  	[dreg:$0x4] =	wrdreg $0xC0  }
0x29: {  	_ =	task [dreg:s7], $0x5FFFF  }
0x2a: {  	[dreg:$0x1] =	wrdreg $0xFFFFFFFF  }
0x2b: {  	[dreg:$0x0] =	wrdreg $0x60  }
0x2c: {  	[dreg:$0x2] =	wrdreg s25  }
0x2d: {  	[dreg:$0x3] =	wrdreg s17  }
0x2e: {  	[dreg:$0x4] =	wrdreg $0x9  }
0x2f: {  	_ =	task.clear_ibuf [dreg:s7], $0x5FFFF;
	_ =	strace $0x90000046  }
0x30: {  	s29 =	simm.s32 $0x9;
	_ =	strace $0x80000048  }
0x31: {  	_ =	swait.ge [sflag:s29], $0x1  }
0x32: {  	[sflag:s29] =	ssyncadd.s32 $0xFFFFFFFF  }
0x33: {  	_ =	strace $0x90000048  }
0x34: {  	_ =	sfence  }
0x35: {  	s30 =	sld [smem:$0x0];
	_ =	sdelay $0x2  }
0x36: {  	s31 =	sshll.u32 s1, $0xD;
	s1 =	sshrl.u32 s1, $0x2  }
0x37: {  	s3 =	sand.u32 $0x4000, s31;
	s1 =	sadd.s32 s1, s30  }
0x38: {  	s0 =	sor.u32 s3, s0;
	s1 =	sshll.u32 s1, $0x11  }
0x39: {  	s0 =	sor.u32 s1, s0  }
0x3a: {  	s0 =	sadd.s32 $0x8F2B, s0  }
0x3b: {  	[sflag:s0] =	ssyncadd.remote.s32 $0x1  }
0x3c: {  	_ =	sfence.sel $0xFFFF  }
0x3d: {  	[dreg:$0x0] =	wrdreg $0xFFFFFFFF;
	(pc) =	sbr.abs _section_cstart, $3  }
0x3e: {  	[dreg:$0x1] =	wrdreg $0xFFFFFFFF  }
0x3f: {  	_ =	task.clear_ibuf [dreg:s7], $0x2FFFF;
	_ =	strace $0x9FFFFFFF  }
0x40: {  	(tm) =	ssettm $0x7FFFFFFF  }
0x41: {  	_ =	shalt  }
tec
execute0_lowered:
.L_overlay_start_1:
0x0: {  	(tag) =	ssettag $0x1  }
0x1: {  	s0 =	srdreg.scid  }
0x2: {  	s1 =	sshll.u32 s0, $0x4  }
0x3: {  	s0 =	stileid.u32;
	s1 =	sand.u32 $0x10, s1  }
0x4: {  	s6 =	rddreg [dreg:$0x0];
	s1 =	sor.u32 s0, s1  }
0x5: {  	s4 =	simm.s32 $0x1;
	s7 =	simm.s32 $0x2;
	s2 =	sshll.u32 s1, $0x1  }
0x6: {  	s14 =	simm.s32 $0x0;
	s8 =	simm.s32 $0x1800;
	s1 =	ssub.s32 $0x15A, s2  }
0x7: {  	s13 =	simm.s32 $0x0;
	s15 =	simm.s32 $0x0;
	s3 =	sand.u32 $0x3E, s1  }
0x8: {  	s9 =	simm.s32 $0x0;
	s5 =	sshrl.u32 s1, $0x6;
	p0 =	sne.s32 s3, $0x0  }
.Ltmp0:
0x9: {  	s1 =	rddreg [dreg:$0x2];
	s4 =	simm.s32 @!p0 $0x0;
	(pc) =	sbr.rel .LBB1_1-.Ltmp0, $4  }
0xa: {  	s11 =	simm.s32 $0x0;
	s3 =	rddreg [dreg:$0x1];
	s5 =	sadd.s32 s4, s5  }
0xb: {  	_ =	strace $0x80000047;
	s4 =	simm.s32 $0x1;
	s5 =	smul.u32 $0x6, s5  }
0xc: {  	s12 =	simm.s32 $0x0;
	s6 =	sadd.s32 $0x800, s6;
	[sflag:s4] =	ssyncpa.u1 $0x0  }
0xd: {  	s10 =	smov.u32 s2;
	[sflag:s7] =	ssyncpa.u1 $0x0;
	s7 =	sor.u32 $0x1, s5  }
.LBB1_7:
0xe: {  	s16 =	sadd.s32 $0x80, s9  }
0xf: {  	s13 =	sadd.s32 $0x40, s10;
	s17 =	smov.u32 s10;
	p1 =	sgt.s32 s16, $0x2FF  }
0x10: {  	s17 =	smov.u32 @p1 s13  }
0x11: {  	s19 =	smov.u32 s11;
	s13 =	sadd.s32 $0x40, s11;
	p2 =	sgt.s32 s17, $0x159  }
0x12: {  	s19 =	smov.u32 @p2 s13  }
0x13: {  	s16 =	simm.s32 @p1 $0x0;
	p1 =	sgt.s32 s19, $0x3F  }
0x14: {  	p0 =	slt.u32 s12, $0x2;
	s19 =	simm.s32 @p1 $0x0;
	p1 =	sne.s32 s12, s7  }
.Ltmp1:
0x15: {  	s18 =	simm.s32 @!p0 $0x2;
	(pc) =	sbr.rel @!p1 .LBB1_8-.Ltmp1, $4  }
0x16: {  	s14 =	smov.u32 s9;
	_ =	swait.ge @!p0 [sflag:s18], $0x4000  }
0x17: {  	s15 =	smov.u32 s11;
	[sflag:s18] =	ssyncset.done @!p0 $0x0;
	s9 =	smov.u32 s16  }
0x18: {  	s17 =	smov.u32 @p2 s2;
	s13 =	smov.u32 s10;
	[sflag:s18] =	ssyncadd.s32 @!p0 $0xFFFFC000  }
0x19: {  	s10 =	smov.u32 s17;
	s12 =	sadd.s32 $0x1, s12;
	s11 =	smov.u32 s19  }
.LBB1_1:
0x1a: {  	p0 =	sge.u32 s12, s5  }
0x1b: {  	s16 =	sshrl.u32 @!p0 s10, $0x3  }
0x1c: {  	s17 =	sshll.u32 @!p0 s9, $0x3;
	s16 =	smul.u32 @!p0 $0x1800, s16  }
0x1d: {  	s18 =	sshll.u32 @!p0 s10, $0x7;
	s17 =	sand.u32 @!p0 $0xFFFFFC00, s17  }
0x1e: {  	s16 =	sadd.s32 @!p0 s16, s17;
	s17 =	sand.u32 @!p0 $0x380, s18  }
0x1f: {  	s16 =	sor.u32 @!p0 s17, s16  }
0x20: {  	s17 =	sand.u32 @!p0 $0x7F, s9;
	s18 =	smulhi.u32 @!p0 $0xAAAAAAAB, s16  }
0x21: {  	s16 =	sor.u32 @!p0 s17, s16  }
0x22: {  	s17 =	smulhi.u32 @!p0 $0xAAAAAAAB, s16;
	s18 =	sshrl.u32 @!p0 s18, $0x9  }
0x23: {  	s19 =	smulhi.u32 @!p0 $0xBA2E8C, s18;
	_ =	sdelay $0x1  }
0x24: {  	s17 =	sshrl.u32 @!p0 s17, $0x9;
	s19 =	smul.u32 @!p0 $0x160, s19  }
0x25: {  	s31 =	sadd.s32 $0xFFFFFFFF, s12;
	s17 =	smul.u32 @!p0 $0x300, s17  }
0x26: {  	s20 =	sxor.u32 @!p0 $0xFFFFFFFF, s12;
	s18 =	ssub.s32 @!p0 s18, s19;
	s19 =	smul.u32 @!p0 $0x8400, s11  }
0x27: {  	s20 =	sshll.u32 @!p0 s20, $0xE;
	s16 =	ssub.s32 @!p0 s16, s17;
	s17 =	smul.u32 @!p0 $0x60, s18  }
0x28: {  	s18 =	sand.u32 @!p0 $0x4000, s20;
	s20 =	sand.u32 @!p0 $0x7, s16;
	s19 =	sadd.s32 @!p0 s6, s19  }
0x29: {  	s16 =	sshrl.u32 @!p0 s16, $0x3;
	s17 =	sadd.s32 @!p0 s17, s19;
	s19 =	sshll.u32 @!p0 s20, $0x12  }
0x2a: {  	s16 =	sadd.s32 @!p0 s16, s17;
	s17 =	sor.u32 @!p0 $0x100, s19;
	s19 =	simm.s32 @!p0 $0x42000  }
0x2b: {  	[tilespmem:s18], [sflag:$0x1] =	stream.strided.gather @!p0 [hbm4b:s16+s17], $0x4000, s19, s17, $0x38;
	[tilespmem:$0x10000] =	vst v63  }
0x2c: {  	p0 =	sge.u32 s31, s5  }
.Ltmp2:
0x2d: {  	_ = 	snop;
	(pc) =	sbr.rel @p0 .LBB1_7-.Ltmp2, $1  }
0x2e: {  	_ =	sdelay $0x3  }
0x2f: {  	_ =	swait.ge [sflag:s4], $0x4000;
	s16 =	sshll.u32 s12, $0xE  }
0x30: {  	[sflag:s4] =	ssyncset.done $0x0;
	s17 =	sand.u32 $0x4000, s16  }
0x31: {  	s18 =	simm.s32 $0x0;
	[sflag:s4] =	ssyncadd.s32 $0xFFFFC000;
	s16 =	sor.u32 $0x8000, s17  }
.LBB1_3:
0x32: {  	s19 =	sshll.u32 s18, $0x8  }
0x33: {  	s19 =	sand.u32 $0x3FFFFF00, s19  }
0x34: {  	s20 =	sshll.u32 s18, $0x7;
	s19 =	sadd.s32 s19, s17  }
0x35: {  	s20 =	sand.u32 $0x3FFFFF80, s20;
	v0 =	vmov s19  }
0x36: {  	s20 =	sadd.s32 s20, s16  }
0x37: {  	p0 =	por $0x1, $0x1;
	v1 =	vmov s20;
	s19 =	simm.s32 $0x0  }
.LBB1_4:
0x38: {  	s20 =	sshll.u32 s19, $0x7  }
0x39: {  	s20 =	sand.u32 $0x3FFFFF80, s20  }
0x3a: {  	v2 =	vld.idx.msk [tilespmem:v0+s20+$0x0 ss:$0x1], $0xffff  }
0x3b: {  	v3 =	vld.idx.msk [tilespmem:v0+s20+$0x10 ss:$0x1], $0xffff  }
0x3c: {  	v4 =	vld.idx.msk [tilespmem:v0+s20+$0x20 ss:$0x1], $0xffff  }
0x3d: {  	s31 =	sshll.u32 s19, $0xD;
	v5 =	vld.idx.msk [tilespmem:v0+s20+$0x30 ss:$0x1], $0xffff  }
0x3e: {  	s19 =	sand.u32 $0x3FFFE000, s31;
	v6 =	vld.idx.msk [tilespmem:v0+s20+$0x40 ss:$0x1], $0xffff  }
0x3f: {  	v63 =	vld.idx.msk [tilespmem:v0+s20+$0x70 ss:$0x1], $0xffff;
	[tilespmem:v1+s19+$0x0 ss:$0x1] =	vst.idx.msk $0xffff, v2  }
0x40: {  	v2 =	vld.idx.msk [tilespmem:v0+s20+$0x50 ss:$0x1], $0xffff;
	[tilespmem:v1+s19+$0x10 ss:$0x1] =	vst.idx.msk $0xffff, v3  }
0x41: {  	p1 =	por p0, p0;
	v3 =	vld.idx.msk [tilespmem:v0+s20+$0x60 ss:$0x1], $0xffff;
	[tilespmem:v1+s19+$0x20 ss:$0x1] =	vst.idx.msk $0xffff, v4  }
.Ltmp3:
0x42: {  	[tilespmem:v1+s19+$0x30 ss:$0x1] =	vst.idx.msk $0xffff, v5;
	(pc) =	sbr.rel @p1 .LBB1_4-.Ltmp3, $4  }
0x43: {  	[tilespmem:v1+s19+$0x40 ss:$0x1] =	vst.idx.msk $0xffff, v6  }
0x44: {  	[tilespmem:v1+s19+$0x70 ss:$0x1] =	vst.idx.msk $0xffff, v63  }
0x45: {  	[tilespmem:v1+s19+$0x50 ss:$0x1] =	vst.idx.msk $0xffff, v2  }
0x46: {  	p0 =	por $0x0, $0x0;
	[tilespmem:v1+s19+$0x60 ss:$0x1] =	vst.idx.msk $0xffff, v3;
	s19 =	simm.s32 $0x1  }
0x47: {  	s18 =	sadd.s32 $0x1, s18  }
0x48: {  	p0 =	sne.s32 s18, $0x40  }
.Ltmp4:
0x49: {  	_ = 	snop;
	(pc) =	sbr.rel @p0 .LBB1_3-.Ltmp4, $1  }
0x4a: {  	_ =	sdelay $0x3  }
0x4b: {  	s17 =	sshrl.u32 s15, $0x3  }
0x4c: {  	s18 =	sshll.u32 s14, $0x3;
	s17 =	smul.u32 $0x1800, s17  }
0x4d: {  	s27 =	sshll.u32 s15, $0x7;
	s18 =	sand.u32 $0xFFFFFC00, s18  }
0x4e: {  	s15 =	sand.u32 $0x380, s27;
	s17 =	sadd.s32 s17, s18  }
0x4f: {  	s28 =	sand.u32 $0x7F, s14;
	s15 =	sor.u32 s15, s17  }
0x50: {  	s14 =	sor.u32 s28, s15;
	s15 =	smulhi.u32 $0xAAAAAAAB, s15  }
0x51: {  	s29 =	smulhi.u32 $0xAAAAAAAB, s14;
	_ =	sdelay $0x1  }
0x52: {  	s13 =	smul.u32 $0x1800, s13;
	s15 =	sshrl.u32 s15, $0x9;
	s17 =	sshrl.u32 s29, $0x9  }
0x53: {  	s15 =	sand.u32 $0x3F, s15;
	s17 =	smul.u32 $0x300, s17  }
0x54: {  	s15 =	smul.u32 $0x60, s15  }
.Ltmp5:
0x55: {  	s14 =	ssub.s32 s14, s17;
	(pc) =	sbr.rel .LBB1_7-.Ltmp5, $4  }
0x56: {  	s13 =	sadd.s32 s3, s13;
	s17 =	sand.u32 $0x7, s14  }
0x57: {  	s13 =	sadd.s32 s15, s13;
	s14 =	sshrl.u32 s14, $0x3;
	s30 =	sshll.u32 s17, $0x12  }
0x58: {  	s13 =	sadd.s32 s14, s13;
	s31 =	sor.u32 $0x400, s30  }
0x59: {  	[hbm4b:s13+s31] =	stream.strided.scatter [tilespmem:s16], [sflag:$0x2], $0x4000, s8, s31, $0x38;
	[tilespmem:$0x10000] =	vst v63  }
.LBB1_8:
0x5a: {  	_ =	sfence.sel $0x180000  }
0x5b: {  	s2 =	simm.s32 $0x1;
	[bflag:$0x0] =	sbarrier.arrive $0xFFFF  }
0x5c: {  	s31 =	simm.s32 $0x2;
	[sflag:s2] =	ssyncpa.u1 $0x1  }
0x5d: {  	[sflag:s31] =	ssyncpa.u1 $0x1  }
0x5e: {  	p0 =	sne.s32 s0, $0x0;
	_ =	strace $0x90000047  }
0x5f: {  	s0 =	sadd.s32 @!p0 $0x100000, s1;
	[bflag:$0x2] =	sbarrier.arrive $0xFFFF  }
0x60: {  	[sflag:s0] =	ssyncadd.tile.s32 @!p0 $0x1;
	_ =	shalt  }
.Lfunc_end1:
_tile_overlayer_lowered:
.L_overlay_start_2:
0x61: {  	(tag) =	ssettag $0x2  }
0x62: {  	s0 =	rddreg [dreg:$0x0];
	s2 =	stileid.u32  }
0x63: {  	s1 =	rddreg [dreg:$0x1];
	p0 =	sne.s32 s2, $0x0  }
0x64: {  	s3 =	rddreg [dreg:$0x2];
	[bflag:$0x3] =	sbarrier.arrive $0xFFFF;
	s2 =	simm.s32 @!p0 $0x1C01  }
0x65: {  	[timem:s3], [sflag:s2] =	dma.local @!p0 [hbm:s0], s1  }
0x66: {  	s0 =	simm.s32 @!p0 $0x1  }
0x67: {  	_ =	swait.ge @!p0 [sflag:s0], s1  }
0x68: {  	s1 =	ssub.s32 @!p0 $0x0, s1;
	[sflag:s0] =	ssyncset.done @!p0 $0x0  }
0x69: {  	[sflag:s0] =	ssyncadd.s32 @!p0 s1  }
0x6a: {  	[bflag:$0x3] =	sbarrier.arrive $0xFFFF  }
0x6b: {  	_ =	shalt  }

</sc_bundles>
